<compile_context>
chip_gen: v7x
topology: tpu7x:2x2x1
jax: 0.10.2.dev20260603
libtpu: 0.0.44.dev20260713+nightly
codegen_flags: <defaults>
</compile_context>

<pallas_src>
import functools

import jax
import jax.numpy as jnp
import numpy as np
from jax import lax
from jax.experimental import pallas as pl
from jax.experimental.pallas import tpu as pltpu
from jax.experimental.pallas import tpu_sc as plsc

_N_OUT = 50
_TEMPLATE = 10
_FDIM = 512
_N_PAIRS = (_N_OUT * (_N_OUT - 1)) // 2
_N_PAIRS_PAD = 1232
_LANES = 16

_IU, _JU = np.triu_indices(_N_OUT, k=1)
_IUP = np.zeros((_N_PAIRS_PAD, 1), dtype=np.int32)
_JUP = np.zeros((_N_PAIRS_PAD, 1), dtype=np.int32)
_IUP[:_N_PAIRS, 0] = _IU
_JUP[:_N_PAIRS, 0] = _JU


def _sc_gather_body(cf_hbm, sel_hbm, rows_hbm, idx_v, rows_v, sem):
    pltpu.sync_copy(sel_hbm.at[pl.ds(0, _LANES)], idx_v)
    pltpu.async_copy(cf_hbm.at[idx_v], rows_v, sem).wait()
    pltpu.sync_copy(rows_v, rows_hbm)


_sc_gather = functools.partial(
    pl.kernel,
    out_type=jax.ShapeDtypeStruct((_LANES, _FDIM), jnp.float32),
    mesh=plsc.VectorSubcoreMesh(core_axis_name="c", subcore_axis_name="s",
                                num_cores=1, num_subcores=1),
    scratch_types=[
        pltpu.VMEM((_LANES,), jnp.int32),
        pltpu.VMEM((_LANES, _FDIM), jnp.float32),
        pltpu.SemaphoreType.DMA,
    ],
)(_sc_gather_body)


def _tc_noise_body(noise_ref, We1_ref, naf_out_ref, nbf_out_ref,
                   ws_out_ref):
    nsc = 0.1 * noise_ref[...]
    NA = jnp.dot(nsc, We1_ref[0:_FDIM, :],
                 preferred_element_type=jnp.float32)
    NB = jnp.dot(nsc, We1_ref[_FDIM:2 * _FDIM, :],
                 preferred_element_type=jnp.float32)
    zeros = jnp.zeros((_TEMPLATE, 64), jnp.float32)
    naf_out_ref[...] = jnp.concatenate([zeros, NA], axis=0)
    nbf_out_ref[...] = jnp.concatenate([zeros, NB], axis=0)
    ws_out_ref[...] = We1_ref[0:_FDIM, :] + We1_ref[_FDIM:2 * _FDIM, :]


def _tc_main_body(rows_ref, noise_ref, W1_ref, b1_ref, W2_ref, b2_ref,
                  W3_ref, b3_ref, ws_ref, be1_ref, We2r_ref, be2_ref,
                  naf_ref, nbf_ref, iu_ref, ju_ref, tf_out_ref, ep_out_ref):
    p = jnp.sum(rows_ref[0:_TEMPLATE, :], axis=0,
                keepdims=True) * (1.0 / _TEMPLATE)
    h1 = jnp.maximum(
        jnp.dot(p, W1_ref[...], preferred_element_type=jnp.float32)
        + b1_ref[...], 0.0)
    h2 = jnp.maximum(
        jnp.dot(h1, W2_ref[...], preferred_element_type=jnp.float32)
        + b2_ref[...], 0.0)
    h3 = jax.nn.sigmoid(
        jnp.dot(h2, W3_ref[...], preferred_element_type=jnp.float32)
        + b3_ref[...])

    base = jnp.broadcast_to(h3, (_N_OUT, _FDIM))
    noise_full = jnp.concatenate(
        [jnp.zeros((_TEMPLATE, _FDIM), jnp.float32), noise_ref[...]],
        axis=0)
    tf = base + 0.1 * noise_full
    tf_out_ref[...] = tf

    c = jnp.dot(h3, ws_ref[...],
                preferred_element_type=jnp.float32) + be1_ref[...]
    cols = lax.broadcasted_iota(jnp.int32, (_N_PAIRS_PAD, _N_OUT), 1)
    ohi = (cols == iu_ref[...]).astype(jnp.float32)
    ohj = (cols == ju_ref[...]).astype(jnp.float32)
    g = (jnp.dot(ohi, naf_ref[...], preferred_element_type=jnp.float32)
         + jnp.dot(ohj, nbf_ref[...], preferred_element_type=jnp.float32))
    e = jnp.maximum(g + c, 0.0)
    s = jnp.sum(e * We2r_ref[...], axis=1, keepdims=True) + be2_ref[...]
    ep_out_ref[...] = jax.nn.sigmoid(s)


def kernel(clean_features, selected_nodes, noise, W1, b1, W2, b2, W3, b3,
           We1, be1, We2, be2):
    rows = _sc_gather(clean_features, selected_nodes)
    naf, nbf, ws = pl.pallas_call(
        _tc_noise_body,
        out_shape=[
            jax.ShapeDtypeStruct((_N_OUT, 64), jnp.float32),
            jax.ShapeDtypeStruct((_N_OUT, 64), jnp.float32),
            jax.ShapeDtypeStruct((_FDIM, 64), jnp.float32),
        ],
    )(noise, We1)
    tf, ep = pl.pallas_call(
        _tc_main_body,
        out_shape=[
            jax.ShapeDtypeStruct((_N_OUT, _FDIM), jnp.float32),
            jax.ShapeDtypeStruct((_N_PAIRS_PAD, 1), jnp.float32),
        ],
    )(rows, noise,
      W1, b1.reshape(1, 64), W2, b2.reshape(1, 64), W3, b3.reshape(1, _FDIM),
      ws, be1.reshape(1, 64), We2.reshape(1, 64), be2.reshape(1, 1),
      naf, nbf, jnp.asarray(_IUP), jnp.asarray(_JUP))
    return (tf, ep[:_N_PAIRS])

# --- scband reference (transcript-rebuilt; emitter-appended) ---
"""Pipeline reference for scband-trigger-generator-66889820668158 (READ-ONLY COPY).

The authoritative reference and input builder live on the scoring server;
editing this copy changes nothing except your own understanding.
"""

import jax, jax.numpy as jnp
import numpy as np

N_NODES = 100000
FEATURE_DIM = 512
HIDDEN_DIM = 64
OUTPUT_NODES = 50
TEMPLATE = 10

def _template_edges():
    src, dst = [], []
    for i in range(TEMPLATE):
        for j in range(i + 1, TEMPLATE):
            src += [i, j]
            dst += [j, i]
    for i in range(TEMPLATE):
        src.append(i)
        dst.append(i)
    return np.array(src, dtype=np.int32), np.array(dst, dtype=np.int32)

SRC, DST = _template_edges()

def setup_inputs(seed: int = 0):
    key = jax.random.key(seed)
    ks = jax.random.split(key, 12)
    clean_features = jax.random.normal(ks[0], (N_NODES, FEATURE_DIM), dtype=jnp.float32)
    selected_nodes = jax.random.randint(ks[1], (1000,), 0, N_NODES, dtype=jnp.int32)
    noise = jax.random.normal(ks[2], (OUTPUT_NODES - TEMPLATE, FEATURE_DIM), dtype=jnp.float32)
    def lin(k, fan_in, fan_out):
        lim = 1.0 / np.sqrt(fan_in)
        kw, kb = jax.random.split(k)
        W = jax.random.uniform(kw, (fan_in, fan_out), minval=-lim, maxval=lim, dtype=jnp.float32)
        b = jax.random.uniform(kb, (fan_out,), minval=-lim, maxval=lim, dtype=jnp.float32)
        return W, b
    W1, b1 = lin(ks[3], FEATURE_DIM, HIDDEN_DIM)
    W2, b2 = lin(ks[4], HIDDEN_DIM, HIDDEN_DIM)
    W3, b3 = lin(ks[5], HIDDEN_DIM, FEATURE_DIM)
    We1, be1 = lin(ks[6], FEATURE_DIM * 2, HIDDEN_DIM)
    We2, be2 = lin(ks[7], HIDDEN_DIM, 1)
    return {"clean_features": clean_features, "selected_nodes": selected_nodes, "noise": noise,
            "W1": W1, "b1": b1, "W2": W2, "b2": b2, "W3": W3, "b3": b3,
            "We1": We1, "be1": be1, "We2": We2, "be2": be2}

def _gcn(X, W, b, norm):
    # DGL GraphConv with norm='both': D^{-1/2} A_hat D^{-1/2} X W + b
    h = X * norm[:, None]
    m = h[SRC]
    agg = jax.ops.segment_sum(m, DST, num_segments=TEMPLATE)
    agg = agg * norm[:, None]
    return agg @ W + b

def reference(clean_features, selected_nodes, noise, W1, b1, W2, b2, W3, b3, We1, be1, We2, be2):
    deg = jnp.full((TEMPLATE,), float(TEMPLATE), dtype=jnp.float32)  # fully connected 10-clique + self loop -> deg 10
    norm = 1.0 / jnp.sqrt(deg)
    prototype = jnp.mean(clean_features[selected_nodes[:10]], axis=0, keepdims=True)
    tf = jnp.tile(prototype, (TEMPLATE, 1))
    h = jax.nn.relu(_gcn(tf, W1, b1, norm))
    h = jax.nn.relu(_gcn(h, W2, b2, norm))
    h = jax.nn.sigmoid(_gcn(h, W3, b3, norm))
    additional = jnp.tile(h[-1:], (OUTPUT_NODES - TEMPLATE, 1)) + noise * 0.1
    trigger_features = jnp.concatenate([h, additional], axis=0)
    iu, ju = np.triu_indices(OUTPUT_NODES, k=1)
    pair = jnp.concatenate([trigger_features[iu], trigger_features[ju]], axis=1)
    e = jax.nn.relu(pair @ We1 + be1)
    edge_probs = jax.nn.sigmoid(e @ We2 + be2)
    return (trigger_features, edge_probs)

if __name__ == "__main__":
    import jax
    _d = setup_inputs()
    print(jax.jit(kernel)(*tuple(_d.values())))

</pallas_src>

<mosaic_0001>
#map = affine_map<(d0, d1) -> (0, 0)>
#map1 = affine_map<(d0, d1) -> (0)>
module attributes {stable_mosaic.version = 14 : i64} {
  func.func @_sc_gather_body(%arg0: i32, %arg1: i32, %arg2: memref<100000x512xf32, #tpu.memory_space<hbm>>, %arg3: memref<1000xi32, #tpu.memory_space<hbm>>, %arg4: memref<16x512xf32, #tpu.memory_space<hbm>>, %arg5: memref<16xi32, #tpu.memory_space<vmem>>, %arg6: memref<16x512xf32, #tpu.memory_space<vmem>>, %arg7: memref<!tpu.dma_semaphore, #tpu.memory_space<semaphore_mem>>) attributes {dimension_semantics = [#tpu.dimension_semantics<core_parallel>, #tpu.dimension_semantics<subcore_parallel>], iteration_bounds = array<i64: 1, 1>, scalar_prefetch = 0 : i64, scratch_operands = 3 : i64, tpu.core_type = #tpu.core_type<sc_vector_subcore>, window_params = [{transform_indices = #map}, {transform_indices = #map1}, {transform_indices = #map}]} {
    "tpu.region"() ({
      %run_scoped3A = tpu.sem_alloc : memref<!tpu.dma_semaphore, #tpu.memory_space<semaphore_mem>>
      %dma_start3A_4 = arith.constant 0 : i32
      %dma_start3A_5 = tpu.memref_slice %arg3[%dma_start3A_4] : memref<1000xi32, #tpu.memory_space<hbm>> -> memref<16xi32, #tpu.memory_space<hbm>>
      %dma_start3A_6 = arith.constant 0 : i32
      %dma_start3A_7 = tpu.memref_slice %arg3[%dma_start3A_6] : memref<1000xi32, #tpu.memory_space<hbm>> -> memref<16xi32, #tpu.memory_space<hbm>>
      tpu.enqueue_dma source(%dma_start3A_7 : memref<16xi32, #tpu.memory_space<hbm>>) target(%arg5 : memref<16xi32, #tpu.memory_space<vmem>>) target_semaphore(%run_scoped3A : memref<!tpu.dma_semaphore, #tpu.memory_space<semaphore_mem>>)
      %dma_wait3A_8 = arith.constant 0 : i32
      %dma_wait3A_9 = tpu.memref_slice %arg3[%dma_wait3A_8] : memref<1000xi32, #tpu.memory_space<hbm>> -> memref<16xi32, #tpu.memory_space<hbm>>
      %dma_wait3A_10 = arith.constant 0 : i32
      %dma_wait3A_11 = tpu.memref_slice %arg3[%dma_wait3A_10] : memref<1000xi32, #tpu.memory_space<hbm>> -> memref<16xi32, #tpu.memory_space<hbm>>
      tpu.wait_dma2 semaphore(%run_scoped3A : memref<!tpu.dma_semaphore, #tpu.memory_space<semaphore_mem>>) src(%dma_wait3A_11 : memref<16xi32, #tpu.memory_space<hbm>>) dst(%arg5 : memref<16xi32, #tpu.memory_space<vmem>>)
      tpu.yield
    }) : () -> ()
    %dma_start3A = arith.constant 0 : i32
    %dma_start3A_0 = arith.constant 0 : i32
    %dma_start3A_1 = tpu.memref_slice %arg2[%dma_start3A, %dma_start3A_0] : memref<100000x512xf32, #tpu.memory_space<hbm>> -> memref<100000x512xf32, #tpu.memory_space<hbm>>
    tpu.enqueue_indirect_dma source(%dma_start3A_1 : memref<100000x512xf32, #tpu.memory_space<hbm>>) target(%arg6 : memref<16x512xf32, #tpu.memory_space<vmem>>) offsets(%arg5 : memref<16xi32, #tpu.memory_space<vmem>>) semaphore(%arg7 : memref<!tpu.dma_semaphore, #tpu.memory_space<semaphore_mem>>)
    %dma_wait3A = arith.constant 0 : i32
    %dma_wait3A_2 = arith.constant 0 : i32
    %dma_wait3A_3 = tpu.memref_slice %arg2[%dma_wait3A, %dma_wait3A_2] : memref<100000x512xf32, #tpu.memory_space<hbm>> -> memref<100000x512xf32, #tpu.memory_space<hbm>>
    tpu.wait_indirect_dma semaphore(%arg7 : memref<!tpu.dma_semaphore, #tpu.memory_space<semaphore_mem>>) src(%dma_wait3A_3 : memref<100000x512xf32, #tpu.memory_space<hbm>>) dst(%arg6 : memref<16x512xf32, #tpu.memory_space<vmem>>)
    "tpu.region"() ({
      %run_scoped3A = tpu.sem_alloc : memref<!tpu.dma_semaphore, #tpu.memory_space<semaphore_mem>>
      tpu.enqueue_dma source(%arg6 : memref<16x512xf32, #tpu.memory_space<vmem>>) target(%arg4 : memref<16x512xf32, #tpu.memory_space<hbm>>) target_semaphore(%run_scoped3A : memref<!tpu.dma_semaphore, #tpu.memory_space<semaphore_mem>>)
      tpu.wait_dma2 semaphore(%run_scoped3A : memref<!tpu.dma_semaphore, #tpu.memory_space<semaphore_mem>>) src(%arg6 : memref<16x512xf32, #tpu.memory_space<vmem>>) dst(%arg4 : memref<16x512xf32, #tpu.memory_space<hbm>>)
      tpu.yield
    }) : () -> ()
    return
  }
}

module attributes {stable_mosaic.version = 14 : i64} {
  func.func @_tc_noise_body(%arg0: memref<40x512xf32, #tpu.memory_space<vmem>>, %arg1: memref<1024x64xf32, #tpu.memory_space<vmem>>, %arg2: memref<50x64xf32, #tpu.memory_space<vmem>>, %arg3: memref<50x64xf32, #tpu.memory_space<vmem>>, %arg4: memref<512x64xf32, #tpu.memory_space<vmem>>) attributes {dimension_semantics = [], scalar_prefetch = 0 : i64, scratch_operands = 0 : i64, tpu.core_type = #tpu.core_type<tc>} {
    %get3A = arith.constant 0 : index
    %get3A_0 = arith.constant 0 : index
    %get3A_1 = vector.load %arg0[%get3A, %get3A_0] : memref<40x512xf32, #tpu.memory_space<vmem>>, vector<40x512xf32>
    %mul3A = arith.constant 1.000000e-01 : f32
    %mul3A_2 = vector.broadcast %mul3A : f32 to vector<40x512xf32>
    %mul3A_3 = arith.mulf %mul3A_2, %get3A_1 : vector<40x512xf32>
    %get3A_4 = arith.constant 0 : index
    %get3A_5 = arith.constant 0 : index
    %get3A_6 = vector.load %arg1[%get3A_4, %get3A_5] : memref<1024x64xf32, #tpu.memory_space<vmem>>, vector<512x64xf32>
    %dot_general3A = arith.constant dense<0.000000e+00> : vector<40x64xf32>
    %dot_general3A_7 = tpu.matmul %mul3A_3, %get3A_6, %dot_general3A {dimension_numbers = #tpu.dot_dimension_numbers<[1], [0], [0], [1], [0, 0, 1, 1], [], []>, transpose_lhs_hint = false} : vector<40x512xf32>, vector<512x64xf32>, vector<40x64xf32> -> vector<40x64xf32>
    %get3A_8 = arith.constant 512 : index
    %get3A_9 = arith.constant 0 : index
    %get3A_10 = vector.load %arg1[%get3A_8, %get3A_9] : memref<1024x64xf32, #tpu.memory_space<vmem>>, vector<512x64xf32>
    %dot_general3A_11 = arith.constant dense<0.000000e+00> : vector<40x64xf32>
    %dot_general3A_12 = tpu.matmul %mul3A_3, %get3A_10, %dot_general3A_11 {dimension_numbers = #tpu.dot_dimension_numbers<[1], [0], [0], [1], [0, 0, 1, 1], [], []>, transpose_lhs_hint = false} : vector<40x512xf32>, vector<512x64xf32>, vector<40x64xf32> -> vector<40x64xf32>
    %broadcast_in_dim3A = arith.constant 0.000000e+00 : f32
    %broadcast_in_dim3A_13 = vector.broadcast %broadcast_in_dim3A : f32 to vector<10x64xf32>
    %concatenate3A = tpu.concatenate %broadcast_in_dim3A_13, %dot_general3A_7 in 0 : vector<10x64xf32>, vector<40x64xf32> -> vector<50x64xf32>
    %swap3A = arith.constant 0 : index
    %swap3A_14 = arith.constant 0 : index
    %swap3A_15 = vector.load %arg2[%swap3A, %swap3A_14] : memref<50x64xf32, #tpu.memory_space<vmem>>, vector<50x64xf32>
    tpu.vector_store %arg2[%swap3A, %swap3A_14], %concatenate3A {strides = array<i32>} : memref<50x64xf32, #tpu.memory_space<vmem>>, vector<50x64xf32>,
    %concatenate3A_16 = tpu.concatenate %broadcast_in_dim3A_13, %dot_general3A_12 in 0 : vector<10x64xf32>, vector<40x64xf32> -> vector<50x64xf32>
    %swap3A_17 = arith.constant 0 : index
    %swap3A_18 = arith.constant 0 : index
    %swap3A_19 = vector.load %arg3[%swap3A_17, %swap3A_18] : memref<50x64xf32, #tpu.memory_space<vmem>>, vector<50x64xf32>
    tpu.vector_store %arg3[%swap3A_17, %swap3A_18], %concatenate3A_16 {strides = array<i32>} : memref<50x64xf32, #tpu.memory_space<vmem>>, vector<50x64xf32>,
    %get3A_20 = arith.constant 0 : index
    %get3A_21 = arith.constant 0 : index
    %get3A_22 = vector.load %arg1[%get3A_20, %get3A_21] : memref<1024x64xf32, #tpu.memory_space<vmem>>, vector<512x64xf32>
    %get3A_23 = arith.constant 512 : index
    %get3A_24 = arith.constant 0 : index
    %get3A_25 = vector.load %arg1[%get3A_23, %get3A_24] : memref<1024x64xf32, #tpu.memory_space<vmem>>, vector<512x64xf32>
    %add3A = arith.addf %get3A_22, %get3A_25 : vector<512x64xf32>
    %swap3A_26 = arith.constant 0 : index
    %swap3A_27 = arith.constant 0 : index
    %swap3A_28 = vector.load %arg4[%swap3A_26, %swap3A_27] : memref<512x64xf32, #tpu.memory_space<vmem>>, vector<512x64xf32>
    tpu.vector_store %arg4[%swap3A_26, %swap3A_27], %add3A {strides = array<i32>} : memref<512x64xf32, #tpu.memory_space<vmem>>, vector<512x64xf32>,
    return
  }
}

module attributes {stable_mosaic.version = 14 : i64} {
  func.func @_tc_main_body(%arg0: memref<16x512xf32, #tpu.memory_space<vmem>>, %arg1: memref<40x512xf32, #tpu.memory_space<vmem>>, %arg2: memref<512x64xf32, #tpu.memory_space<vmem>>, %arg3: memref<1x64xf32, #tpu.memory_space<vmem>>, %arg4: memref<64x64xf32, #tpu.memory_space<vmem>>, %arg5: memref<1x64xf32, #tpu.memory_space<vmem>>, %arg6: memref<64x512xf32, #tpu.memory_space<vmem>>, %arg7: memref<1x512xf32, #tpu.memory_space<vmem>>, %arg8: memref<512x64xf32, #tpu.memory_space<vmem>>, %arg9: memref<1x64xf32, #tpu.memory_space<vmem>>, %arg10: memref<1x64xf32, #tpu.memory_space<vmem>>, %arg11: memref<1x1xf32, #tpu.memory_space<vmem>>, %arg12: memref<50x64xf32, #tpu.memory_space<vmem>>, %arg13: memref<50x64xf32, #tpu.memory_space<vmem>>, %arg14: memref<1232x1xi32, #tpu.memory_space<vmem>>, %arg15: memref<1232x1xi32, #tpu.memory_space<vmem>>, %arg16: memref<50x512xf32, #tpu.memory_space<vmem>>, %arg17: memref<1232x1xf32, #tpu.memory_space<vmem>>) attributes {dimension_semantics = [], scalar_prefetch = 0 : i64, scratch_operands = 0 : i64, tpu.core_type = #tpu.core_type<tc>} {
    %get3A = arith.constant 0 : index
    %get3A_0 = arith.constant 0 : index
    %get3A_1 = vector.load %arg0[%get3A, %get3A_0] : memref<16x512xf32, #tpu.memory_space<vmem>>, vector<10x512xf32>
    %reduce_sum3A = arith.constant dense<0.000000e+00> : vector<512xf32>
    %reduce_sum3A_2 = vector.multi_reduction <add>, %get3A_1, %reduce_sum3A [0] : vector<10x512xf32> to vector<512xf32>
    %broadcast_in_dim3A = vector.shape_cast %reduce_sum3A_2 : vector<512xf32> to vector<1x512xf32>
    %mul3A = arith.constant 1.000000e-01 : f32
    %mul3A_3 = vector.broadcast %mul3A : f32 to vector<1x512xf32>
    %mul3A_4 = arith.mulf %broadcast_in_dim3A, %mul3A_3 : vector<1x512xf32>
    %get3A_5 = arith.constant 0 : index
    %get3A_6 = arith.constant 0 : index
    %get3A_7 = vector.load %arg2[%get3A_5, %get3A_6] : memref<512x64xf32, #tpu.memory_space<vmem>>, vector<512x64xf32>
    %dot_general3A = arith.constant dense<0.000000e+00> : vector<1x64xf32>
    %dot_general3A_8 = tpu.matmul %mul3A_4, %get3A_7, %dot_general3A {dimension_numbers = #tpu.dot_dimension_numbers<[1], [0], [0], [1], [0, 0, 1, 1], [], []>, transpose_lhs_hint = false} : vector<1x512xf32>, vector<512x64xf32>, vector<1x64xf32> -> vector<1x64xf32>
    %get3A_9 = arith.constant 0 : index
    %get3A_10 = arith.constant 0 : index
    %get3A_11 = vector.load %arg3[%get3A_9, %get3A_10] : memref<1x64xf32, #tpu.memory_space<vmem>>, vector<1x64xf32>
    %add3A = arith.addf %dot_general3A_8, %get3A_11 : vector<1x64xf32>
    %max3A = arith.constant 0.000000e+00 : f32
    %max3A_12 = vector.broadcast %max3A : f32 to vector<1x64xf32>
    %max3A_13 = arith.maximumf %add3A, %max3A_12 : vector<1x64xf32>
    %get3A_14 = arith.constant 0 : index
    %get3A_15 = arith.constant 0 : index
    %get3A_16 = vector.load %arg4[%get3A_14, %get3A_15] : memref<64x64xf32, #tpu.memory_space<vmem>>, vector<64x64xf32>
    %dot_general3A_17 = arith.constant dense<0.000000e+00> : vector<1x64xf32>
    %dot_general3A_18 = tpu.matmul %max3A_13, %get3A_16, %dot_general3A_17 {dimension_numbers = #tpu.dot_dimension_numbers<[1], [0], [0], [1], [0, 0, 1, 1], [], []>, transpose_lhs_hint = false} : vector<1x64xf32>, vector<64x64xf32>, vector<1x64xf32> -> vector<1x64xf32>
    %get3A_19 = arith.constant 0 : index
    %get3A_20 = arith.constant 0 : index
    %get3A_21 = vector.load %arg5[%get3A_19, %get3A_20] : memref<1x64xf32, #tpu.memory_space<vmem>>, vector<1x64xf32>
    %add3A_22 = arith.addf %dot_general3A_18, %get3A_21 : vector<1x64xf32>
    %max3A_23 = arith.constant 0.000000e+00 : f32
    %max3A_24 = vector.broadcast %max3A_23 : f32 to vector<1x64xf32>
    %max3A_25 = arith.maximumf %add3A_22, %max3A_24 : vector<1x64xf32>
    %get3A_26 = arith.constant 0 : index
    %get3A_27 = arith.constant 0 : index
    %get3A_28 = vector.load %arg6[%get3A_26, %get3A_27] : memref<64x512xf32, #tpu.memory_space<vmem>>, vector<64x512xf32>
    %dot_general3A_29 = arith.constant dense<0.000000e+00> : vector<1x512xf32>
    %dot_general3A_30 = tpu.matmul %max3A_25, %get3A_28, %dot_general3A_29 {dimension_numbers = #tpu.dot_dimension_numbers<[1], [0], [0], [1], [0, 0, 1, 1], [], []>, transpose_lhs_hint = false} : vector<1x64xf32>, vector<64x512xf32>, vector<1x512xf32> -> vector<1x512xf32>
    %get3A_31 = arith.constant 0 : index
    %get3A_32 = arith.constant 0 : index
    %get3A_33 = vector.load %arg7[%get3A_31, %get3A_32] : memref<1x512xf32, #tpu.memory_space<vmem>>, vector<1x512xf32>
    %add3A_34 = arith.addf %dot_general3A_30, %get3A_33 : vector<1x512xf32>
    %logistic3A = arith.negf %add3A_34 : vector<1x512xf32>
    %logistic3A_35 = math.exp %logistic3A : vector<1x512xf32>
    %logistic3A_36 = arith.constant 1.000000e+00 : f32
    %logistic3A_37 = vector.broadcast %logistic3A_36 : f32 to vector<1x512xf32>
    %logistic3A_38 = arith.addf %logistic3A_37, %logistic3A_35 : vector<1x512xf32>
    %logistic3A_39 = arith.divf %logistic3A_37, %logistic3A_38 : vector<1x512xf32>
    %broadcast_in_dim3A_40 = vector.shape_cast %logistic3A_39 : vector<1x512xf32> to vector<1x512xf32>
    %broadcast_in_dim3A_41 = vector.broadcast %broadcast_in_dim3A_40 : vector<1x512xf32> to vector<50x512xf32>
    %broadcast_in_dim3A_42 = arith.constant 0.000000e+00 : f32
    %broadcast_in_dim3A_43 = vector.broadcast %broadcast_in_dim3A_42 : f32 to vector<10x512xf32>
    %get3A_44 = arith.constant 0 : index
    %get3A_45 = arith.constant 0 : index
    %get3A_46 = vector.load %arg1[%get3A_44, %get3A_45] : memref<40x512xf32, #tpu.memory_space<vmem>>, vector<40x512xf32>
    %concatenate3A = tpu.concatenate %broadcast_in_dim3A_43, %get3A_46 in 0 : vector<10x512xf32>, vector<40x512xf32> -> vector<50x512xf32>
    %mul3A_47 = arith.constant 1.000000e-01 : f32
    %mul3A_48 = vector.broadcast %mul3A_47 : f32 to vector<50x512xf32>
    %mul3A_49 = arith.mulf %mul3A_48, %concatenate3A : vector<50x512xf32>
    %add3A_50 = arith.addf %broadcast_in_dim3A_41, %mul3A_49 : vector<50x512xf32>
    %swap3A = arith.constant 0 : index
    %swap3A_51 = arith.constant 0 : index
    %swap3A_52 = vector.load %arg16[%swap3A, %swap3A_51] : memref<50x512xf32, #tpu.memory_space<vmem>>, vector<50x512xf32>
    tpu.vector_store %arg16[%swap3A, %swap3A_51], %add3A_50 {strides = array<i32>} : memref<50x512xf32, #tpu.memory_space<vmem>>, vector<50x512xf32>,
    %get3A_53 = arith.constant 0 : index
    %get3A_54 = arith.constant 0 : index
    %get3A_55 = vector.load %arg8[%get3A_53, %get3A_54] : memref<512x64xf32, #tpu.memory_space<vmem>>, vector<512x64xf32>
    %dot_general3A_56 = arith.constant dense<0.000000e+00> : vector<1x64xf32>
    %dot_general3A_57 = tpu.matmul %logistic3A_39, %get3A_55, %dot_general3A_56 {dimension_numbers = #tpu.dot_dimension_numbers<[1], [0], [0], [1], [0, 0, 1, 1], [], []>, transpose_lhs_hint = false} : vector<1x512xf32>, vector<512x64xf32>, vector<1x64xf32> -> vector<1x64xf32>
    %get3A_58 = arith.constant 0 : index
    %get3A_59 = arith.constant 0 : index
    %get3A_60 = vector.load %arg9[%get3A_58, %get3A_59] : memref<1x64xf32, #tpu.memory_space<vmem>>, vector<1x64xf32>
    %add3A_61 = arith.addf %dot_general3A_57, %get3A_60 : vector<1x64xf32>
    %iota3A = tpu.iota {dimensions = array<i32: 1>} : vector<1232x50xi32>
    %get3A_62 = arith.constant 0 : index
    %get3A_63 = arith.constant 0 : index
    %get3A_64 = vector.load %arg14[%get3A_62, %get3A_63] : memref<1232x1xi32, #tpu.memory_space<vmem>>, vector<1232x1xi32>
    %eq3A = vector.broadcast %get3A_64 : vector<1232x1xi32> to vector<1232x50xi32>
    %eq3A_65 = arith.cmpi eq, %iota3A, %eq3A : vector<1232x50xi32>
    %convert_element_type3A = arith.extui %eq3A_65 : vector<1232x50xi1> to vector<1232x50xi32>
    %convert_element_type3A_66 = arith.sitofp %convert_element_type3A : vector<1232x50xi32> to vector<1232x50xf32>
    %get3A_67 = arith.constant 0 : index
    %get3A_68 = arith.constant 0 : index
    %get3A_69 = vector.load %arg15[%get3A_67, %get3A_68] : memref<1232x1xi32, #tpu.memory_space<vmem>>, vector<1232x1xi32>
    %eq3A_70 = vector.broadcast %get3A_69 : vector<1232x1xi32> to vector<1232x50xi32>
    %eq3A_71 = arith.cmpi eq, %iota3A, %eq3A_70 : vector<1232x50xi32>
    %convert_element_type3A_72 = arith.extui %eq3A_71 : vector<1232x50xi1> to vector<1232x50xi32>
    %convert_element_type3A_73 = arith.sitofp %convert_element_type3A_72 : vector<1232x50xi32> to vector<1232x50xf32>
    %get3A_74 = arith.constant 0 : index
    %get3A_75 = arith.constant 0 : index
    %get3A_76 = vector.load %arg12[%get3A_74, %get3A_75] : memref<50x64xf32, #tpu.memory_space<vmem>>, vector<50x64xf32>
    %dot_general3A_77 = arith.constant dense<0.000000e+00> : vector<1232x64xf32>
    %dot_general3A_78 = tpu.matmul %convert_element_type3A_66, %get3A_76, %dot_general3A_77 {dimension_numbers = #tpu.dot_dimension_numbers<[1], [0], [0], [1], [0, 0, 1, 1], [], []>, transpose_lhs_hint = false} : vector<1232x50xf32>, vector<50x64xf32>, vector<1232x64xf32> -> vector<1232x64xf32>
    %get3A_79 = arith.constant 0 : index
    %get3A_80 = arith.constant 0 : index
    %get3A_81 = vector.load %arg13[%get3A_79, %get3A_80] : memref<50x64xf32, #tpu.memory_space<vmem>>, vector<50x64xf32>
    %dot_general3A_82 = arith.constant dense<0.000000e+00> : vector<1232x64xf32>
    %dot_general3A_83 = tpu.matmul %convert_element_type3A_73, %get3A_81, %dot_general3A_82 {dimension_numbers = #tpu.dot_dimension_numbers<[1], [0], [0], [1], [0, 0, 1, 1], [], []>, transpose_lhs_hint = false} : vector<1232x50xf32>, vector<50x64xf32>, vector<1232x64xf32> -> vector<1232x64xf32>
    %add3A_84 = arith.addf %dot_general3A_78, %dot_general3A_83 : vector<1232x64xf32>
    %add3A_85 = vector.broadcast %add3A_61 : vector<1x64xf32> to vector<1232x64xf32>
    %add3A_86 = arith.addf %add3A_84, %add3A_85 : vector<1232x64xf32>
    %max3A_87 = arith.constant 0.000000e+00 : f32
    %max3A_88 = vector.broadcast %max3A_87 : f32 to vector<1232x64xf32>
    %max3A_89 = arith.maximumf %add3A_86, %max3A_88 : vector<1232x64xf32>
    %get3A_90 = arith.constant 0 : index
    %get3A_91 = arith.constant 0 : index
    %get3A_92 = vector.load %arg10[%get3A_90, %get3A_91] : memref<1x64xf32, #tpu.memory_space<vmem>>, vector<1x64xf32>
    %mul3A_93 = vector.broadcast %get3A_92 : vector<1x64xf32> to vector<1232x64xf32>
    %mul3A_94 = arith.mulf %max3A_89, %mul3A_93 : vector<1232x64xf32>
    %reduce_sum3A_95 = arith.constant dense<0.000000e+00> : vector<1232xf32>
    %reduce_sum3A_96 = vector.multi_reduction <add>, %mul3A_94, %reduce_sum3A_95 [1] : vector<1232x64xf32> to vector<1232xf32>
    %broadcast_in_dim3A_97 = vector.shape_cast %reduce_sum3A_96 : vector<1232xf32> to vector<1232x1xf32>
    %get3A_98 = arith.constant 0 : index
    %get3A_99 = arith.constant 0 : index
    %get3A_100 = vector.load %arg11[%get3A_98, %get3A_99] : memref<1x1xf32, #tpu.memory_space<vmem>>, vector<1x1xf32>
    %add3A_101 = vector.broadcast %get3A_100 : vector<1x1xf32> to vector<1232x1xf32>
    %add3A_102 = arith.addf %broadcast_in_dim3A_97, %add3A_101 : vector<1232x1xf32>
    %logistic3A_103 = arith.negf %add3A_102 : vector<1232x1xf32>
    %logistic3A_104 = math.exp %logistic3A_103 : vector<1232x1xf32>
    %logistic3A_105 = arith.constant 1.000000e+00 : f32
    %logistic3A_106 = vector.broadcast %logistic3A_105 : f32 to vector<1232x1xf32>
    %logistic3A_107 = arith.addf %logistic3A_106, %logistic3A_104 : vector<1232x1xf32>
    %logistic3A_108 = arith.divf %logistic3A_106, %logistic3A_107 : vector<1232x1xf32>
    %swap3A_109 = arith.constant 0 : index
    %swap3A_110 = arith.constant 0 : index
    %swap3A_111 = vector.load %arg17[%swap3A_109, %swap3A_110] : memref<1232x1xf32, #tpu.memory_space<vmem>>, vector<1232x1xf32>
    tpu.vector_store %arg17[%swap3A_109, %swap3A_110], %logistic3A_108 {strides = array<i32>} : memref<1232x1xf32, #tpu.memory_space<vmem>>, vector<1232x1xf32>,
    return
  }
}

</mosaic_0001>

<sc_bundles>
// kernel: kernel.5.cloned.1.call-start
scs
__scs_entry_jumppad:
0x0: {  	(pc) =	sbr.rel $0x88, $3  }
0x1: {  	(tag) =	ssettag $0x0;
	lr =	simm.s32 $0x1  }
0x2: {  	[smem:$0x3F94] =	sst lr;
	_ =	strace $0xD0000000  }
0x3: {  	_ = 	snop  }
0x4: {  	_ = 	snop  }
0x5: {  	_ = 	snop  }
0x6: {  	_ = 	snop  }
0x7: {  	_ = 	snop  }
__scs_overlays_trampoline_lowered:
0x8: {  	[smem:$0x3FA3] =	sst s0  }
0x9: {  	[smem:$0x3FA4] =	sst s1  }
0xa: {  	[smem:$0x3FA5] =	sst s2  }
0xb: {  	[smem:$0x3FA6] =	sst s3  }
0xc: {  	[smem:$0x3FA7] =	sst s4  }
0xd: {  	[smem:$0x3FA8] =	sst s5  }
0xe: {  	[smem:$0x3FA9] =	sst s6  }
0xf: {  	[smem:$0x3FAA] =	sst s7  }
0x10: {  	[smem:$0x3FAB] =	sst s8  }
0x11: {  	[smem:$0x3FAC] =	sst s9;
	s0 =	simm.s32 @!p0 $0x0  }
0x12: {  	s1 =	sld [smem:$0x3F92];
	s0 =	simm.s32 @p0 $0x1  }
0x13: {  	[smem:$0x3FAD] =	sst s0;
	s0 =	simm.s32 @!p1 $0x0  }
0x14: {  	s2 =	sld [smem:$0x3F91];
	s0 =	simm.s32 @p1 $0x1  }
0x15: {  	[smem:$0x3FAE] =	sst s0;
	s0 =	simm.s32 @!p2 $0x0  }
0x16: {  	s3 =	sld [smem:$0x3FDB];
	s0 =	simm.s32 @p2 $0x1  }
0x17: {  	s4 =	simm.s32 $0x1BF5;
	[smem:$0x3FB0] =	sst s0  }
0x18: {  	s0 =	sld [smem:$0x3F93];
	_ =	swait.ge [sflag:s4], $0x0  }
0x19: {  	s7 =	sld [smem:$0x3F94]  }
0x1a: {  	s8 =	sadd.s32 $0xFFFFE003, lr  }
0x1b: {  	s9 =	sadd.s32 $0xFFFFFEF7, lr;
	s5 =	simm.s32 $0xFFFFFFFF;
	p2 =	slt.u32 s8, $0xFFFFF086  }
0x1c: {  	p1 =	slt.u32 s9, $0xF7A;
	s5 =	simm.s32 @!p2 $0x0  }
0x1d: {  	s5 =	simm.s32 @p1 $0x1;
	p0 =	seq.s32 s7, s2  }
0x1e: {  	s7 =	smul.u32 @!p0 $0xF7A, s2;
	p2 =	seq.s32 @!p0 s5, $0x0  }
0x1f: {  	s9 =	smul.u32 $0xF7A, s1;
	s8 =	simm.s32 @!p0 $0x1BF5;
	p2 =	por !p2, p0  }
0x20: {  	[sflag:s8] =	ssyncset.s32 @!p0 $0xFFFFF086;
	s6 =	sadd.s32 @!p0 s3, s7;
	s7 =	simm.s32 @!p0 $0x108  }
0x21: {  	s3 =	sadd.s32 s3, s9;
	s6 =	sadd.s32 @!p0 $0x88, s6;
	s7 =	simm.s32 @p2 $0x1082  }
0x22: {  	[simem:s7], [sflag:s8] =	dma.local @!p0 [hbm:s6], $0xF7A  }
0x23: {  	s9 =	sor.u32 $0xD0000000, s2;
	s6 =	simm.s32 $0x108;
	_ =	swait.ge @!p0 [sflag:s8], $0x0  }
0x24: {  	s3 =	sadd.s32 $0x88, s3;
	s6 =	simm.s32 @!p1 $0x1082;
	[sflag:s4] =	ssyncset.s32 $0xFFFFF086  }
0x25: {  	[simem:s6], [sflag:s4] =	dma.local [hbm:s3], $0xF7A  }
0x26: {  	[smem:$0x3F94] =	sst s1;
	(tag) =	ssettag s2;
	_ =	strace s9  }
0x27: {  	s1 =	sld [smem:$0x3FA4]  }
0x28: {  	s2 =	sld [smem:$0x3FA5]  }
0x29: {  	s4 =	sld [smem:$0x3FA7]  }
0x2a: {  	p0 =	seq.s32 s5, $0x0;
	s5 =	sld [smem:$0x3FA8]  }
0x2b: {  	s6 =	sld [smem:$0x3FA9]  }
0x2c: {  	s7 =	sld [smem:$0x3FAA]  }
0x2d: {  	s3 =	simm.s32 $0x108;
	s8 =	sld [smem:$0x3FAB]  }
0x2e: {  	s3 =	simm.s32 @!p0 $0x1082;
	s9 =	sld [smem:$0x3FAC]  }
0x2f: {  	lr =	sadd.s32 s0, s3;
	s0 =	sld [smem:$0x3FA3]  }
0x30: {  	s3 =	sld [smem:$0x3FA6]  }
0x31: {  	[smem:$0x3FAF] =	sst s10  }
0x32: {  	s10 =	sld [smem:$0x3FAD];
	_ =	sdelay $0x3  }
0x33: {  	p0 =	seq.s32 s10, $0x1;
	s10 =	sld [smem:$0x3FAF];
	_ =	sdelay $0x3  }
0x34: {  	[smem:$0x3FAF] =	sst s10  }
0x35: {  	s10 =	sld [smem:$0x3FAE];
	_ =	sdelay $0x3  }
0x36: {  	p1 =	seq.s32 s10, $0x1;
	s10 =	sld [smem:$0x3FAF];
	_ =	sdelay $0x3  }
0x37: {  	[smem:$0x3FAF] =	sst s10  }
0x38: {  	s10 =	sld [smem:$0x3FB0]  }
0x39: {  	_ = 	snop;
	(pc) =	sbr.ind lr, $3  }
0x3a: {  	_ = 	snop  }
0x3b: {  	_ = 	snop  }
0x3c: {  	p2 =	seq.s32 s10, $0x1;
	s10 =	sld [smem:$0x3FAF]  }
0x3d: {  	_ =	shalt  }
0x3e: {  	_ =	shalt  }
0x3f: {  	_ =	shalt  }
0x40: {  	_ =	shalt  }
0x41: {  	_ =	shalt  }
0x42: {  	_ =	shalt  }
0x43: {  	_ =	shalt  }
0x44: {  	_ =	shalt  }
0x45: {  	_ =	shalt  }
0x46: {  	_ =	shalt  }
0x47: {  	_ =	shalt  }
0x48: {  	_ =	shalt  }
0x49: {  	_ =	shalt  }
0x4a: {  	_ =	shalt  }
0x4b: {  	_ =	shalt  }
0x4c: {  	_ =	shalt  }
0x4d: {  	_ =	shalt  }
0x4e: {  	_ =	shalt  }
0x4f: {  	_ =	shalt  }
0x50: {  	_ =	shalt  }
0x51: {  	_ =	shalt  }
0x52: {  	_ =	shalt  }
0x53: {  	_ =	shalt  }
0x54: {  	_ =	shalt  }
0x55: {  	_ =	shalt  }
0x56: {  	_ =	shalt  }
0x57: {  	_ =	shalt  }
0x58: {  	_ =	shalt  }
0x59: {  	_ =	shalt  }
0x5a: {  	_ =	shalt  }
0x5b: {  	_ =	shalt  }
0x5c: {  	_ =	shalt  }
0x5d: {  	_ =	shalt  }
0x5e: {  	_ =	shalt  }
0x5f: {  	_ =	shalt  }
0x60: {  	_ =	shalt  }
0x61: {  	_ =	shalt  }
0x62: {  	_ =	shalt  }
0x63: {  	_ =	shalt  }
0x64: {  	_ =	shalt  }
0x65: {  	_ =	shalt  }
0x66: {  	_ =	shalt  }
0x67: {  	_ =	shalt  }
0x68: {  	_ =	shalt  }
0x69: {  	_ =	shalt  }
0x6a: {  	_ =	shalt  }
0x6b: {  	_ =	shalt  }
0x6c: {  	_ =	shalt  }
0x6d: {  	_ =	shalt  }
0x6e: {  	_ =	shalt  }
0x6f: {  	_ =	shalt  }
0x70: {  	_ =	shalt  }
0x71: {  	_ =	shalt  }
0x72: {  	_ =	shalt  }
0x73: {  	_ =	shalt  }
0x74: {  	_ =	shalt  }
0x75: {  	_ =	shalt  }
0x76: {  	_ =	shalt  }
0x77: {  	_ =	shalt  }
0x78: {  	_ =	shalt  }
0x79: {  	_ =	shalt  }
0x7a: {  	_ =	shalt  }
0x7b: {  	_ =	shalt  }
0x7c: {  	_ =	shalt  }
0x7d: {  	_ =	shalt  }
0x7e: {  	_ =	shalt  }
0x7f: {  	_ =	shalt  }
0x80: {  	_ =	shalt  }
0x81: {  	_ =	shalt  }
0x82: {  	_ =	shalt  }
0x83: {  	_ =	shalt  }
0x84: {  	_ =	shalt  }
0x85: {  	_ =	shalt  }
0x86: {  	_ =	shalt  }
0x87: {  	_ =	shalt  }
.Lfunc_end0:
.L_simem_size_0:
called_computation_lowered:
.L_overlay_start_0:
0x88: {  	s0 =	sld [smem:$0x3FD9]  }
0x89: {  	s1 =	sld [smem:$0x3FFE];
	_ =	sdelay $0x3  }
0x8a: {  	s0 =	sadd.s32 s1, s0  }
0x8b: {  	[smem:$0x3FBB] =	sst s0  }
0x8c: {  	_ = 	snop  }
0x8d: {  	s0 =	sld [smem:$0x3FD0];
	_ =	sdelay $0x1  }
0x8e: {  	s14 =	sld [smem:$0x3FC9]  }
0x8f: {  	s3 =	simm.s32 $0xA;
	s4 =	simm.s32 $0x10;
	s2 =	sld [smem:$0x3FC8]  }
0x90: {  	[smem:s4], [sflag:s3] =	dma.local [hbm:s0], $0x1  }
0x91: {  	_ =	swait.eq [sflag:s3], $0x1  }
0x92: {  	[sflag:s3] =	ssyncset.done $0x0  }
0x93: {  	[sflag:s3] =	ssyncadd.s32 $0xFFFFFFFF  }
0x94: {  	s15 =	sld [smem:$0x10];
	(tm) =	ssettm $0x1  }
0x95: {  	s16 =	sld [smem:$0x3FFB];
	_ =	sdelay $0x3  }
0x96: {  	_ =	strace s16  }
0x97: {  	s3 =	sld [smem:$0x3FFC];
	_ =	sdelay $0x3  }
0x98: {  	_ =	strace s3  }
0x99: {  	s3 =	sld [smem:$0x3FFD];
	_ =	sdelay $0x3  }
0x9a: {  	_ =	strace s3  }
0x9b: {  	_ =	strace $0x8FFFFFFF  }
0x9c: {  	s17 =	sld [smem:$0x3FDB];
	_ =	sdelay $0x1  }
0x9d: {  	s18 =	simm.s32 $_scs_section_size  }
0x9e: {  	s5 =	simm.s32 $_size__tile_overlayer_lowered;
	s6 =	simm.s32 $_tile_overlayer_lowered  }
0x9f: {  	s21 =	simm.s32 $0x1BFF;
	s20 =	sshll.u32 s6, $0x1;
	s3 =	sadd.s32 s18, s17  }
0xa0: {  	s7 =	simm.s32 $0x0;
	s19 =	sshll.u32 s5, $0x1;
	s5 =	sadd.s32 s20, s3  }
0xa1: {  	[timem:s7], [sflag:s21] =	dma.local [hbm:s5], s19  }
0xa2: {  	_ =	swait.ge [sflag:s21], s19  }
0xa3: {  	s4 =	ssub.s32 $0x0, s19;
	[sflag:s21] =	ssyncset.done $0x0  }
0xa4: {  	[sflag:s21] =	ssyncadd.s32 s4;
	_ =	sdelay $0x1  }
0xa5: {  	s22 =	simm.s32 $0x1B8B  }
0xa6: {  	_ =	swait.ge [sflag:s22], $0x1  }
0xa7: {  	[sflag:s22] =	ssyncset.done $0x0  }
0xa8: {  	s23 =	simm.s32 $0x1B8E;
	[sflag:s22] =	ssyncadd.s32 $0xFFFFFFFF  }
0xa9: {  	s24 =	simm.s32 $execute0_lowered;
	[smem:$0x3FD2] =	sst s23  }
0xaa: {  	s4 =	sshll.u32 s24, $0x1;
	_ =	strace $0x80000046;
	[dreg:$0x1] =	wrdreg $0xFFFFFFFF  }
0xab: {  	s25 =	simm.s32 $_size_execute0_lowered;
	s3 =	sadd.s32 s3, s4;
	[dreg:$0x0] =	wrdreg $0x0  }
0xac: {  	s4 =	sshll.u32 s25, $0x1;
	[dreg:$0x2] =	wrdreg s3  }
0xad: {  	[dreg:$0x3] =	wrdreg s4  }
0xae: {  	[dreg:$0x4] =	wrdreg $0xC0  }
0xaf: {  	_ =	task [dreg:s7], $0x5FFFF  }
0xb0: {  	[dreg:$0x1] =	wrdreg $0xFFFFFFFF  }
0xb1: {  	[dreg:$0x0] =	wrdreg $0x60  }
0xb2: {  	[dreg:$0x2] =	wrdreg s14  }
0xb3: {  	[dreg:$0x3] =	wrdreg s2  }
0xb4: {  	[dreg:$0x4] =	wrdreg s15  }
0xb5: {  	[dreg:$0x5] =	wrdreg $0x9  }
0xb6: {  	_ =	task.clear_ibuf [dreg:s7], $0x6FFFF;
	_ =	strace $0x90000046  }
0xb7: {  	s26 =	simm.s32 $0x9;
	_ =	strace $0x80000048  }
0xb8: {  	_ =	swait.ge [sflag:s26], $0x1  }
0xb9: {  	[sflag:s26] =	ssyncadd.s32 $0xFFFFFFFF  }
0xba: {  	_ =	strace $0x90000048  }
0xbb: {  	_ =	sfence  }
0xbc: {  	s28 =	sld [smem:$0x0];
	_ =	sdelay $0x1  }
0xbd: {  	s29 =	srdreg.scid  }
0xbe: {  	s30 =	sshll.u32 s29, $0xD;
	s31 =	sshrl.u32 s29, $0x2  }
0xbf: {  	s1 =	sand.u32 $0x1, s29;
	s2 =	sand.u32 $0x4000, s30;
	s0 =	sadd.s32 s31, s28  }
0xc0: {  	s1 =	sor.u32 s2, s1;
	s0 =	sshll.u32 s0, $0x11  }
0xc1: {  	s0 =	sor.u32 s0, s1  }
0xc2: {  	s0 =	sadd.s32 $0x8F2B, s0  }
0xc3: {  	[sflag:s0] =	ssyncadd.remote.s32 $0x1  }
0xc4: {  	_ =	sfence.sel $0xFFFF  }
0xc5: {  	[dreg:$0x0] =	wrdreg $0xFFFFFFFF;
	(pc) =	sbr.abs _section_cstart, $3  }
0xc6: {  	[dreg:$0x1] =	wrdreg $0xFFFFFFFF  }
0xc7: {  	_ =	task.clear_ibuf [dreg:s7], $0x2FFFF;
	_ =	strace $0x9FFFFFFF  }
0xc8: {  	(tm) =	ssettm $0x7FFFFFFF  }
0xc9: {  	_ =	shalt  }
tec
execute0_lowered:
.L_overlay_start_1:
0x0: {  	(tag) =	ssettag $0x1  }
0x1: {  	s0 =	rddreg [dreg:$0x0]  }
0x2: {  	s1 =	rddreg [dreg:$0x1];
	s3 =	stileid.u32  }
0x3: {  	s2 =	rddreg [dreg:$0x2];
	p0 =	sne.s32 s3, $0x0  }
0x4: {  	s4 =	rddreg [dreg:$0x3];
	_ =	strace $0x80000047;
	s3 =	simm.s32 @!p0 $0x0  }
0x5: {  	[tilespmem:s3], [sflag:$0x2] =	stream.linear.gather @!p0 [hbm4b:s1+s3], $0x10, $0x38;
	[tilespmem:$0x2080] =	vst v63  }
0x6: {  	s1 =	simm.s32 @!p0 $0x2  }
0x7: {  	_ =	swait.ge @!p0 [sflag:s1], $0x10  }
0x8: {  	[sflag:s1] =	ssyncset.done @!p0 $0x0  }
0x9: {  	[sflag:s1] =	ssyncadd.s32 @!p0 $0xFFFFFFF0  }
0xa: {  	v0 =	vld @!p0 [tilespmem:$0x0];
	_ =	sdelay $0x4  }
0xb: {  	v1 =	vshll.u32 @!p0 v0, $0x2  }
0xc: {  	v2 =	vlaneseq.u32 @!p0;
	v0 =	vand.u32 @!p0 $0x7, v0;
	v1 =	vand.u32 @!p0 $0xFFFFFFE0, v1  }
0xd: {  	v3 =	vshrl.u32 @!p0 v2, $0x3;
	v0 =	vor.u32 @!p0 v0, v1;
	v1 =	vand.u32 @!p0 $0x7, v2  }
0xe: {  	v3 =	vmul.u32 @!p0 $0x8, v3;
	v1 =	vperm.xlane @!p0 v0, v1;
	_ =	sdelay $0x1  }
0xf: {  	v1 =	vadd.s32 @!p0 v3, v1  }
0x10: {  	v2 =	vor.u32 @!p0 $0x8, v2  }
0x11: {  	v0 =	vperm.xlane @!p0 v0, v2;
	_ =	sdelay $0x1  }
0x12: {  	vm0 =	vmmov @!p0 $0xffff;
	s5 =	simm.s32 @!p0 $0x80;
	v0 =	vadd.s32 @!p0 v3, v0  }
0x13: {  	[tilespmem:s5], [sflag:$0x1] =	stream.indirect_vreg.gather @!p0 [hbm4b:s0+s3], $0x80, v1, vm0, $0xb8;
	[tilespmem:$0x2080] =	vst v63  }
0x14: {  	s6 =	sadd.s32 @!p0 $0x100, s0;
	s7 =	simm.s32 @!p0 $0x880  }
0x15: {  	[tilespmem:s7], [sflag:$0x1] =	stream.indirect_vreg.gather @!p0 [hbm4b:s6+s3], $0x80, v1, vm0, $0xb8;
	[tilespmem:$0x2080] =	vst v63  }
0x16: {  	s7 =	simm.s32 @!p0 $0x1080  }
0x17: {  	[tilespmem:s7], [sflag:$0x1] =	stream.indirect_vreg.gather @!p0 [hbm4b:s0+s3], $0x80, v0, vm0, $0xb8;
	[tilespmem:$0x2080] =	vst v63  }
0x18: {  	s0 =	simm.s32 @!p0 $0x1880  }
0x19: {  	[tilespmem:s0], [sflag:$0x1] =	stream.indirect_vreg.gather @!p0 [hbm4b:s6+s3], $0x80, v0, vm0, $0xb8;
	[tilespmem:$0x2080] =	vst v63  }
0x1a: {  	s0 =	simm.s32 @!p0 $0x1  }
0x1b: {  	_ =	swait.ge @!p0 [sflag:s0], $0x2000  }
0x1c: {  	[sflag:s0] =	ssyncset.done @!p0 $0x0  }
0x1d: {  	[sflag:s0] =	ssyncadd.s32 @!p0 $0xFFFFE000  }
0x1e: {  	[hbm4b:s2+s3] =	stream.linear.scatter @!p0 [tilespmem:s5], [sflag:$0x2], $0x2000, $0x38;
	[tilespmem:$0x2080] =	vst v63  }
0x1f: {  	_ =	swait.ge @!p0 [sflag:s1], $0x2000  }
0x20: {  	[sflag:s1] =	ssyncset.done @!p0 $0x0  }
0x21: {  	[sflag:s1] =	ssyncadd.s32 @!p0 $0xFFFFE000  }
0x22: {  	_ =	sfence.sel $0x180000  }
0x23: {  	[bflag:$0x0] =	sbarrier.arrive $0xFFFF  }
0x24: {  	_ =	strace $0x90000047  }
0x25: {  	s0 =	sadd.s32 @!p0 $0x100000, s4;
	[bflag:$0x2] =	sbarrier.arrive $0xFFFF  }
0x26: {  	[sflag:s0] =	ssyncadd.tile.s32 @!p0 $0x1;
	_ =	shalt  }
.Lfunc_end2:
_tile_overlayer_lowered:
.L_overlay_start_2:
0x27: {  	(tag) =	ssettag $0x2  }
0x28: {  	s0 =	rddreg [dreg:$0x0];
	s2 =	stileid.u32  }
0x29: {  	s1 =	rddreg [dreg:$0x1];
	p0 =	sne.s32 s2, $0x0  }
0x2a: {  	s3 =	rddreg [dreg:$0x2];
	[bflag:$0x3] =	sbarrier.arrive $0xFFFF;
	s2 =	simm.s32 @!p0 $0x1C02  }
0x2b: {  	[timem:s3], [sflag:s2] =	dma.local @!p0 [hbm:s0], s1  }
0x2c: {  	s0 =	simm.s32 @!p0 $0x2  }
0x2d: {  	_ =	swait.ge @!p0 [sflag:s0], s1  }
0x2e: {  	s1 =	ssub.s32 @!p0 $0x0, s1;
	[sflag:s0] =	ssyncset.done @!p0 $0x0  }
0x2f: {  	[sflag:s0] =	ssyncadd.s32 @!p0 s1  }
0x30: {  	[bflag:$0x3] =	sbarrier.arrive $0xFFFF  }
0x31: {  	_ =	shalt  }

</sc_bundles>
